<compile_context>
chip_gen: v7x
topology: tpu7x:2x2x1
jax: 0.10.2.dev20260603
libtpu: 0.0.44.dev20260713+nightly
codegen_flags: <defaults>
</compile_context>

<pallas_src>
import functools

import jax
import jax.numpy as jnp
from jax import lax
from jax.experimental import pallas as pl
from jax.experimental.pallas import tpu as pltpu
from jax.experimental.pallas import tpu_sc as plsc

N = 16384
D = 32
K = 8192
BLK = 1024
NBLK = N // BLK
COMMITMENT_COST = 0.25


def _dist_argmin_body(x_ref, cb_ref, idx_ref, minsq_ref):
    xb = x_ref[...]
    cb = cb_ref[...]
    c2 = jnp.sum(cb * cb, axis=1)
    x2 = jnp.sum(xb * xb, axis=1)
    d = lax.dot_general(
        xb.astype(jnp.bfloat16), cb.astype(jnp.bfloat16),
        (((1,), (1,)), ((), ())),
        preferred_element_type=jnp.float32,
    )
    sq = (x2[:, None] + c2[None, :]) - 2.0 * d
    H = K // 2
    msq0 = jnp.min(sq[:, :H], axis=1)
    msq1 = jnp.min(sq[:, H:], axis=1)
    s0 = jnp.sqrt(jnp.maximum(msq0, 0.0))
    s1 = jnp.sqrt(jnp.maximum(msq1, 0.0))

    def class_hi(s, msq):
        c0 = s * s
        cb_ = lax.bitcast_convert_type(c0, jnp.int32)
        best = jnp.maximum(c0, msq)
        for k in (-2, -1, 1, 2, 3):
            cand = lax.bitcast_convert_type(cb_ + k, jnp.float32)
            ok = jnp.sqrt(jnp.maximum(cand, 0.0)) == s
            best = jnp.where(ok, jnp.maximum(best, cand), best)
        return best

    hi0 = class_hi(s0, msq0)
    hi1 = class_hi(s1, msq1)
    iota = lax.broadcasted_iota(jnp.int32, (BLK, H), 1)
    i0 = jnp.min(jnp.where(sq[:, :H] <= hi0[:, None], iota, H), axis=1)
    i1 = jnp.min(jnp.where(sq[:, H:] <= hi1[:, None], iota, H), axis=1)
    m0r = s0.astype(jnp.bfloat16).astype(jnp.float32)
    use1 = s1 < m0r
    idx = jnp.where(use1, i1 + H, i0)
    m = jnp.where(use1, s1, s0)
    idx_ref[...] = idx.reshape(1, 1, BLK)
    minsq_ref[...] = (m * m).reshape(1, 1, BLK)


_dist_argmin = pl.pallas_call(
    _dist_argmin_body,
    grid=(NBLK,),
    in_specs=[
        pl.BlockSpec((BLK, D), lambda i: (i, 0)),
        pl.BlockSpec((K, D), lambda i: (0, 0)),
    ],
    out_specs=[
        pl.BlockSpec((1, 1, BLK), lambda i: (i, 0, 0)),
        pl.BlockSpec((1, 1, BLK), lambda i: (i, 0, 0)),
    ],
    out_shape=[
        jax.ShapeDtypeStruct((NBLK, 1, BLK), jnp.int32),
        jax.ShapeDtypeStruct((NBLK, 1, BLK), jnp.float32),
    ],
)


_NC = 2
_NS = 16
_NW = _NC * _NS
_BPW = N // _NW

@functools.cache
def _make_sc_gather():
    mesh = plsc.VectorSubcoreMesh(core_axis_name="c", subcore_axis_name="s")

    @functools.partial(
        pl.kernel,
        mesh=mesh,
        compiler_params=pltpu.CompilerParams(use_tc_tiling_on_sc=False),
        out_type=jax.ShapeDtypeStruct((N, D), jnp.float32),
        scratch_types=[
            pltpu.VMEM((_BPW,), jnp.int32),
            pltpu.VMEM((_BPW, D), jnp.float32),
            pltpu.SemaphoreType.DMA,
        ],
    )
    def _sc_gather(table_hbm, idx_hbm, out_hbm, idx_v, rows_v, sem):
        wid = lax.axis_index("s") * _NC + lax.axis_index("c")
        base = wid * _BPW
        pltpu.sync_copy(idx_hbm.at[pl.ds(base, _BPW)], idx_v)
        pltpu.async_copy(table_hbm.at[idx_v], rows_v, sem).wait()
        pltpu.sync_copy(rows_v, out_hbm.at[pl.ds(base, _BPW)])

    return _sc_gather


def kernel(inputs, codebook):
    flat = inputs.reshape(N, D)
    idx3, minsq3 = _dist_argmin(flat, codebook)
    idx = idx3.reshape(N)
    quantized = _make_sc_gather()(codebook, idx)
    loss = ((1.0 + COMMITMENT_COST) / (N * D)) * jnp.sum(minsq3)
    return quantized.reshape(inputs.shape), loss, idx

# --- scband reference (transcript-rebuilt; emitter-appended) ---
"""Pipeline reference for scband-geodesic-vector-quantizer-56899726737761 (READ-ONLY COPY).

The authoritative reference and input builder live on the scoring server;
editing this copy changes nothing except your own understanding.
"""

import jax, jax.numpy as jnp
import numpy as np

CODEBOOK_SIZE = 8192
EMBEDDING_DIM = 32
COMMITMENT_COST = 0.25


def setup_inputs(seed: int = 0) -> dict:
    key = jax.random.key(seed)
    k1, k2 = jax.random.split(key)
    inputs = jax.random.normal(k1, (16, 1024, EMBEDDING_DIM), dtype=jnp.float32)
    codebook = jax.random.normal(k2, (CODEBOOK_SIZE, EMBEDDING_DIM), dtype=jnp.float32)
    return {"inputs": inputs, "codebook": codebook}


def _cdist(x, c):
    # Euclidean pairwise distances, equivalent to torch.cdist(x, c) with p=2
    x2 = jnp.sum(x * x, axis=1, keepdims=True)
    c2 = jnp.sum(c * c, axis=1)[None, :]
    sq = x2 + c2 - 2.0 * (x @ c.T)
    return jnp.sqrt(jnp.maximum(sq, 0.0))


def reference(inputs, codebook):
    input_shape = inputs.shape
    flat_input = inputs.reshape(-1, EMBEDDING_DIM)
    # _quantize_euclidean
    distances = _cdist(flat_input, codebook)
    encoding_indices = jnp.argmin(distances, axis=1)
    # gather codebook rows
    quantized = jnp.take(codebook, encoding_indices, axis=0)
    # _compute_quantization_loss
    vq_loss = jnp.mean((jax.lax.stop_gradient(quantized) - flat_input) ** 2)
    commitment_loss = jnp.mean((quantized - jax.lax.stop_gradient(flat_input)) ** 2)
    quantization_loss = vq_loss + COMMITMENT_COST * commitment_loss
    # straight-through estimator
    quantized_st = flat_input + jax.lax.stop_gradient(quantized - flat_input)
    quantized_st = quantized_st.reshape(input_shape)
    return quantized_st, quantization_loss, encoding_indices

if __name__ == "__main__":
    import jax
    _d = setup_inputs()
    print(jax.jit(kernel)(*tuple(_d.values())))

</pallas_src>

<mosaic_0001>
#map = affine_map<(d0, d1) -> (0, 0)>
#map1 = affine_map<(d0, d1) -> (0)>
module attributes {stable_mosaic.version = 14 : i64} {
  func.func @_sc_gather(%arg0: i32, %arg1: i32, %arg2: memref<8192x32xf32, #tpu.memory_space<hbm>>, %arg3: memref<16384xi32, #tpu.memory_space<hbm>>, %arg4: memref<16384x32xf32, #tpu.memory_space<hbm>>, %arg5: memref<512xi32, #tpu.memory_space<vmem>>, %arg6: memref<512x32xf32, #tpu.memory_space<vmem>>, %arg7: memref<!tpu.dma_semaphore, #tpu.memory_space<semaphore_mem>>) attributes {dimension_semantics = [#tpu.dimension_semantics<core_parallel>, #tpu.dimension_semantics<subcore_parallel>], iteration_bounds = array<i64: 2, 16>, scalar_prefetch = 0 : i64, scratch_operands = 3 : i64, tpu.core_type = #tpu.core_type<sc_vector_subcore>, window_params = [{transform_indices = #map}, {transform_indices = #map1}, {transform_indices = #map}]} {
    %mul3A = arith.constant 2 : i32
    %mul3A_0 = arith.muli %arg1, %mul3A : i32
    %add3A = arith.addi %mul3A_0, %arg0 : i32
    %mul3A_1 = arith.constant 512 : i32
    %mul3A_2 = arith.muli %add3A, %mul3A_1 : i32
    "tpu.region"() ({
      %run_scoped3A = tpu.sem_alloc : memref<!tpu.dma_semaphore, #tpu.memory_space<semaphore_mem>>
      %dma_start3A_7 = tpu.memref_slice %arg3[%mul3A_2] : memref<16384xi32, #tpu.memory_space<hbm>> -> memref<512xi32, #tpu.memory_space<hbm>>
      %dma_start3A_8 = tpu.memref_slice %arg3[%mul3A_2] : memref<16384xi32, #tpu.memory_space<hbm>> -> memref<512xi32, #tpu.memory_space<hbm>>
      tpu.enqueue_dma source(%dma_start3A_8 : memref<512xi32, #tpu.memory_space<hbm>>) target(%arg5 : memref<512xi32, #tpu.memory_space<vmem>>) target_semaphore(%run_scoped3A : memref<!tpu.dma_semaphore, #tpu.memory_space<semaphore_mem>>)
      %dma_wait3A_9 = tpu.memref_slice %arg3[%mul3A_2] : memref<16384xi32, #tpu.memory_space<hbm>> -> memref<512xi32, #tpu.memory_space<hbm>>
      %dma_wait3A_10 = tpu.memref_slice %arg3[%mul3A_2] : memref<16384xi32, #tpu.memory_space<hbm>> -> memref<512xi32, #tpu.memory_space<hbm>>
      tpu.wait_dma2 semaphore(%run_scoped3A : memref<!tpu.dma_semaphore, #tpu.memory_space<semaphore_mem>>) src(%dma_wait3A_10 : memref<512xi32, #tpu.memory_space<hbm>>) dst(%arg5 : memref<512xi32, #tpu.memory_space<vmem>>)
      tpu.yield
    }) : () -> ()
    %dma_start3A = arith.constant 0 : i32
    %dma_start3A_3 = arith.constant 0 : i32
    %dma_start3A_4 = tpu.memref_slice %arg2[%dma_start3A, %dma_start3A_3] : memref<8192x32xf32, #tpu.memory_space<hbm>> -> memref<8192x32xf32, #tpu.memory_space<hbm>>
    tpu.enqueue_indirect_dma source(%dma_start3A_4 : memref<8192x32xf32, #tpu.memory_space<hbm>>) target(%arg6 : memref<512x32xf32, #tpu.memory_space<vmem>>) offsets(%arg5 : memref<512xi32, #tpu.memory_space<vmem>>) semaphore(%arg7 : memref<!tpu.dma_semaphore, #tpu.memory_space<semaphore_mem>>)
    %dma_wait3A = arith.constant 0 : i32
    %dma_wait3A_5 = arith.constant 0 : i32
    %dma_wait3A_6 = tpu.memref_slice %arg2[%dma_wait3A, %dma_wait3A_5] : memref<8192x32xf32, #tpu.memory_space<hbm>> -> memref<8192x32xf32, #tpu.memory_space<hbm>>
    tpu.wait_indirect_dma semaphore(%arg7 : memref<!tpu.dma_semaphore, #tpu.memory_space<semaphore_mem>>) src(%dma_wait3A_6 : memref<8192x32xf32, #tpu.memory_space<hbm>>) dst(%arg6 : memref<512x32xf32, #tpu.memory_space<vmem>>)
    "tpu.region"() ({
      %run_scoped3A = tpu.sem_alloc : memref<!tpu.dma_semaphore, #tpu.memory_space<semaphore_mem>>
      %dma_start3A_7 = arith.constant 0 : i32
      %dma_start3A_8 = tpu.memref_slice %arg4[%mul3A_2, %dma_start3A_7] : memref<16384x32xf32, #tpu.memory_space<hbm>> -> memref<512x32xf32, #tpu.memory_space<hbm>>
      %dma_start3A_9 = arith.constant 0 : i32
      %dma_start3A_10 = tpu.memref_slice %arg4[%mul3A_2, %dma_start3A_9] : memref<16384x32xf32, #tpu.memory_space<hbm>> -> memref<512x32xf32, #tpu.memory_space<hbm>>
      tpu.enqueue_dma source(%arg6 : memref<512x32xf32, #tpu.memory_space<vmem>>) target(%dma_start3A_10 : memref<512x32xf32, #tpu.memory_space<hbm>>) target_semaphore(%run_scoped3A : memref<!tpu.dma_semaphore, #tpu.memory_space<semaphore_mem>>)
      %dma_wait3A_11 = arith.constant 0 : i32
      %dma_wait3A_12 = tpu.memref_slice %arg4[%mul3A_2, %dma_wait3A_11] : memref<16384x32xf32, #tpu.memory_space<hbm>> -> memref<512x32xf32, #tpu.memory_space<hbm>>
      %dma_wait3A_13 = arith.constant 0 : i32
      %dma_wait3A_14 = tpu.memref_slice %arg4[%mul3A_2, %dma_wait3A_13] : memref<16384x32xf32, #tpu.memory_space<hbm>> -> memref<512x32xf32, #tpu.memory_space<hbm>>
      tpu.wait_dma2 semaphore(%run_scoped3A : memref<!tpu.dma_semaphore, #tpu.memory_space<semaphore_mem>>) src(%arg6 : memref<512x32xf32, #tpu.memory_space<vmem>>) dst(%dma_wait3A_14 : memref<512x32xf32, #tpu.memory_space<hbm>>)
      tpu.yield
    }) : () -> ()
    return
  }
}

module attributes {stable_mosaic.version = 14 : i64} {
  func.func @_dist_argmin_body(%arg0: i32, %arg1: memref<1024x32xf32, #tpu.memory_space<vmem>>, %arg2: memref<8192x32xf32, #tpu.memory_space<vmem>>, %arg3: memref<1x1x1024xi32, #tpu.memory_space<vmem>>, %arg4: memref<1x1x1024xf32, #tpu.memory_space<vmem>>) attributes {dimension_semantics = [#tpu.dimension_semantics<arbitrary>], iteration_bounds = array<i64: 16>, scalar_prefetch = 0 : i64, scratch_operands = 0 : i64, tpu.core_type = #tpu.core_type<tc>, window_params = [{transform_indices = @transform_0, window_bounds = array<i64: 1024, 32>}, {pipeline_mode = #tpu.pipeline_mode<synchronous>, transform_indices = @transform_1, window_bounds = array<i64: 8192, 32>}, {transform_indices = @transform_2, window_bounds = array<i64: 1, 1, 1024>}, {transform_indices = @transform_3, window_bounds = array<i64: 1, 1, 1024>}]} {
    %get3A = arith.constant 0 : index
    %get3A_0 = arith.constant 0 : index
    %get3A_1 = vector.load %arg1[%get3A, %get3A_0] : memref<1024x32xf32, #tpu.memory_space<vmem>>, vector<1024x32xf32>
    %get3A_2 = arith.constant 0 : index
    %get3A_3 = arith.constant 0 : index
    %get3A_4 = vector.load %arg2[%get3A_2, %get3A_3] : memref<8192x32xf32, #tpu.memory_space<vmem>>, vector<8192x32xf32>
    %mul3A = arith.mulf %get3A_4, %get3A_4 : vector<8192x32xf32>
    %reduce_sum3A = arith.constant dense<0.000000e+00> : vector<8192xf32>
    %reduce_sum3A_5 = vector.multi_reduction <add>, %mul3A, %reduce_sum3A [1] : vector<8192x32xf32> to vector<8192xf32>
    %mul3A_6 = arith.mulf %get3A_1, %get3A_1 : vector<1024x32xf32>
    %reduce_sum3A_7 = arith.constant dense<0.000000e+00> : vector<1024xf32>
    %reduce_sum3A_8 = vector.multi_reduction <add>, %mul3A_6, %reduce_sum3A_7 [1] : vector<1024x32xf32> to vector<1024xf32>
    %convert_element_type3A = arith.truncf %get3A_1 : vector<1024x32xf32> to vector<1024x32xbf16>
    %convert_element_type3A_9 = arith.truncf %get3A_4 : vector<8192x32xf32> to vector<8192x32xbf16>
    %dot_general3A = arith.constant dense<0.000000e+00> : vector<1024x8192xf32>
    %dot_general3A_10 = tpu.matmul %convert_element_type3A, %convert_element_type3A_9, %dot_general3A {dimension_numbers = #tpu.dot_dimension_numbers<[1], [1], [0], [0], [0, 0, 1, 0], [], []>, transpose_lhs_hint = false} : vector<1024x32xbf16>, vector<8192x32xbf16>, vector<1024x8192xf32> -> vector<1024x8192xf32>
    %broadcast_in_dim3A = vector.shape_cast %reduce_sum3A_8 : vector<1024xf32> to vector<1024x1xf32>
    %broadcast_in_dim3A_11 = vector.shape_cast %reduce_sum3A_5 : vector<8192xf32> to vector<1x8192xf32>
    %add3A = vector.broadcast %broadcast_in_dim3A : vector<1024x1xf32> to vector<1024x8192xf32>
    %add3A_12 = vector.broadcast %broadcast_in_dim3A_11 : vector<1x8192xf32> to vector<1024x8192xf32>
    %add3A_13 = arith.addf %add3A, %add3A_12 : vector<1024x8192xf32>
    %mul3A_14 = arith.constant 2.000000e+00 : f32
    %mul3A_15 = vector.broadcast %mul3A_14 : f32 to vector<1024x8192xf32>
    %mul3A_16 = arith.mulf %mul3A_15, %dot_general3A_10 : vector<1024x8192xf32>
    %sub3A = arith.subf %add3A_13, %mul3A_16 : vector<1024x8192xf32>
    %slice3A = vector.extract_strided_slice %sub3A {offsets = [0, 0], sizes = [1024, 4096], strides = [1, 1]} : vector<1024x8192xf32> to vector<1024x4096xf32>
    %reduce_min3A = arith.constant dense<0x7F800000> : vector<1024xf32>
    %reduce_min3A_17 = vector.multi_reduction <minimumf>, %slice3A, %reduce_min3A [1] : vector<1024x4096xf32> to vector<1024xf32>
    %slice3A_18 = vector.extract_strided_slice %sub3A {offsets = [0, 4096], sizes = [1024, 4096], strides = [1, 1]} : vector<1024x8192xf32> to vector<1024x4096xf32>
    %reduce_min3A_19 = arith.constant dense<0x7F800000> : vector<1024xf32>
    %reduce_min3A_20 = vector.multi_reduction <minimumf>, %slice3A_18, %reduce_min3A_19 [1] : vector<1024x4096xf32> to vector<1024xf32>
    %max3A = arith.constant 0.000000e+00 : f32
    %max3A_21 = vector.broadcast %max3A : f32 to vector<1024xf32>
    %max3A_22 = arith.maximumf %reduce_min3A_17, %max3A_21 : vector<1024xf32>
    %sqrt3A = math.sqrt %max3A_22 : vector<1024xf32>
    %max3A_23 = arith.constant 0.000000e+00 : f32
    %max3A_24 = vector.broadcast %max3A_23 : f32 to vector<1024xf32>
    %max3A_25 = arith.maximumf %reduce_min3A_20, %max3A_24 : vector<1024xf32>
    %sqrt3A_26 = math.sqrt %max3A_25 : vector<1024xf32>
    %mul3A_27 = arith.mulf %sqrt3A, %sqrt3A : vector<1024xf32>
    %bitcast_convert_type3A = tpu.bitcast %mul3A_27 : vector<1024xf32> -> vector<1024xi32>
    %max3A_28 = arith.maximumf %mul3A_27, %reduce_min3A_17 : vector<1024xf32>
    %add3A_29 = arith.constant -2 : i32
    %add3A_30 = vector.broadcast %add3A_29 : i32 to vector<1024xi32>
    %add3A_31 = arith.addi %bitcast_convert_type3A, %add3A_30 : vector<1024xi32>
    %bitcast_convert_type3A_32 = tpu.bitcast %add3A_31 : vector<1024xi32> -> vector<1024xf32>
    %max3A_33 = arith.constant 0.000000e+00 : f32
    %max3A_34 = vector.broadcast %max3A_33 : f32 to vector<1024xf32>
    %max3A_35 = arith.maximumf %bitcast_convert_type3A_32, %max3A_34 : vector<1024xf32>
    %sqrt3A_36 = math.sqrt %max3A_35 : vector<1024xf32>
    %eq3A = arith.cmpf oeq, %sqrt3A_36, %sqrt3A : vector<1024xf32>
    %max3A_37 = arith.maximumf %max3A_28, %bitcast_convert_type3A_32 : vector<1024xf32>
    %select_n3A = arith.select %eq3A, %max3A_37, %max3A_28 : vector<1024xi1>, vector<1024xf32>
    %add3A_38 = arith.constant -1 : i32
    %add3A_39 = vector.broadcast %add3A_38 : i32 to vector<1024xi32>
    %add3A_40 = arith.addi %bitcast_convert_type3A, %add3A_39 : vector<1024xi32>
    %bitcast_convert_type3A_41 = tpu.bitcast %add3A_40 : vector<1024xi32> -> vector<1024xf32>
    %max3A_42 = arith.constant 0.000000e+00 : f32
    %max3A_43 = vector.broadcast %max3A_42 : f32 to vector<1024xf32>
    %max3A_44 = arith.maximumf %bitcast_convert_type3A_41, %max3A_43 : vector<1024xf32>
    %sqrt3A_45 = math.sqrt %max3A_44 : vector<1024xf32>
    %eq3A_46 = arith.cmpf oeq, %sqrt3A_45, %sqrt3A : vector<1024xf32>
    %max3A_47 = arith.maximumf %select_n3A, %bitcast_convert_type3A_41 : vector<1024xf32>
    %select_n3A_48 = arith.select %eq3A_46, %max3A_47, %select_n3A : vector<1024xi1>, vector<1024xf32>
    %add3A_49 = arith.constant 1 : i32
    %add3A_50 = vector.broadcast %add3A_49 : i32 to vector<1024xi32>
    %add3A_51 = arith.addi %bitcast_convert_type3A, %add3A_50 : vector<1024xi32>
    %bitcast_convert_type3A_52 = tpu.bitcast %add3A_51 : vector<1024xi32> -> vector<1024xf32>
    %max3A_53 = arith.constant 0.000000e+00 : f32
    %max3A_54 = vector.broadcast %max3A_53 : f32 to vector<1024xf32>
    %max3A_55 = arith.maximumf %bitcast_convert_type3A_52, %max3A_54 : vector<1024xf32>
    %sqrt3A_56 = math.sqrt %max3A_55 : vector<1024xf32>
    %eq3A_57 = arith.cmpf oeq, %sqrt3A_56, %sqrt3A : vector<1024xf32>
    %max3A_58 = arith.maximumf %select_n3A_48, %bitcast_convert_type3A_52 : vector<1024xf32>
    %select_n3A_59 = arith.select %eq3A_57, %max3A_58, %select_n3A_48 : vector<1024xi1>, vector<1024xf32>
    %add3A_60 = arith.constant 2 : i32
    %add3A_61 = vector.broadcast %add3A_60 : i32 to vector<1024xi32>
    %add3A_62 = arith.addi %bitcast_convert_type3A, %add3A_61 : vector<1024xi32>
    %bitcast_convert_type3A_63 = tpu.bitcast %add3A_62 : vector<1024xi32> -> vector<1024xf32>
    %max3A_64 = arith.constant 0.000000e+00 : f32
    %max3A_65 = vector.broadcast %max3A_64 : f32 to vector<1024xf32>
    %max3A_66 = arith.maximumf %bitcast_convert_type3A_63, %max3A_65 : vector<1024xf32>
    %sqrt3A_67 = math.sqrt %max3A_66 : vector<1024xf32>
    %eq3A_68 = arith.cmpf oeq, %sqrt3A_67, %sqrt3A : vector<1024xf32>
    %max3A_69 = arith.maximumf %select_n3A_59, %bitcast_convert_type3A_63 : vector<1024xf32>
    %select_n3A_70 = arith.select %eq3A_68, %max3A_69, %select_n3A_59 : vector<1024xi1>, vector<1024xf32>
    %add3A_71 = arith.constant 3 : i32
    %add3A_72 = vector.broadcast %add3A_71 : i32 to vector<1024xi32>
    %add3A_73 = arith.addi %bitcast_convert_type3A, %add3A_72 : vector<1024xi32>
    %bitcast_convert_type3A_74 = tpu.bitcast %add3A_73 : vector<1024xi32> -> vector<1024xf32>
    %max3A_75 = arith.constant 0.000000e+00 : f32
    %max3A_76 = vector.broadcast %max3A_75 : f32 to vector<1024xf32>
    %max3A_77 = arith.maximumf %bitcast_convert_type3A_74, %max3A_76 : vector<1024xf32>
    %sqrt3A_78 = math.sqrt %max3A_77 : vector<1024xf32>
    %eq3A_79 = arith.cmpf oeq, %sqrt3A_78, %sqrt3A : vector<1024xf32>
    %max3A_80 = arith.maximumf %select_n3A_70, %bitcast_convert_type3A_74 : vector<1024xf32>
    %select_n3A_81 = arith.select %eq3A_79, %max3A_80, %select_n3A_70 : vector<1024xi1>, vector<1024xf32>
    %mul3A_82 = arith.mulf %sqrt3A_26, %sqrt3A_26 : vector<1024xf32>
    %bitcast_convert_type3A_83 = tpu.bitcast %mul3A_82 : vector<1024xf32> -> vector<1024xi32>
    %max3A_84 = arith.maximumf %mul3A_82, %reduce_min3A_20 : vector<1024xf32>
    %add3A_85 = arith.constant -2 : i32
    %add3A_86 = vector.broadcast %add3A_85 : i32 to vector<1024xi32>
    %add3A_87 = arith.addi %bitcast_convert_type3A_83, %add3A_86 : vector<1024xi32>
    %bitcast_convert_type3A_88 = tpu.bitcast %add3A_87 : vector<1024xi32> -> vector<1024xf32>
    %max3A_89 = arith.constant 0.000000e+00 : f32
    %max3A_90 = vector.broadcast %max3A_89 : f32 to vector<1024xf32>
    %max3A_91 = arith.maximumf %bitcast_convert_type3A_88, %max3A_90 : vector<1024xf32>
    %sqrt3A_92 = math.sqrt %max3A_91 : vector<1024xf32>
    %eq3A_93 = arith.cmpf oeq, %sqrt3A_92, %sqrt3A_26 : vector<1024xf32>
    %max3A_94 = arith.maximumf %max3A_84, %bitcast_convert_type3A_88 : vector<1024xf32>
    %select_n3A_95 = arith.select %eq3A_93, %max3A_94, %max3A_84 : vector<1024xi1>, vector<1024xf32>
    %add3A_96 = arith.constant -1 : i32
    %add3A_97 = vector.broadcast %add3A_96 : i32 to vector<1024xi32>
    %add3A_98 = arith.addi %bitcast_convert_type3A_83, %add3A_97 : vector<1024xi32>
    %bitcast_convert_type3A_99 = tpu.bitcast %add3A_98 : vector<1024xi32> -> vector<1024xf32>
    %max3A_100 = arith.constant 0.000000e+00 : f32
    %max3A_101 = vector.broadcast %max3A_100 : f32 to vector<1024xf32>
    %max3A_102 = arith.maximumf %bitcast_convert_type3A_99, %max3A_101 : vector<1024xf32>
    %sqrt3A_103 = math.sqrt %max3A_102 : vector<1024xf32>
    %eq3A_104 = arith.cmpf oeq, %sqrt3A_103, %sqrt3A_26 : vector<1024xf32>
    %max3A_105 = arith.maximumf %select_n3A_95, %bitcast_convert_type3A_99 : vector<1024xf32>
    %select_n3A_106 = arith.select %eq3A_104, %max3A_105, %select_n3A_95 : vector<1024xi1>, vector<1024xf32>
    %add3A_107 = arith.constant 1 : i32
    %add3A_108 = vector.broadcast %add3A_107 : i32 to vector<1024xi32>
    %add3A_109 = arith.addi %bitcast_convert_type3A_83, %add3A_108 : vector<1024xi32>
    %bitcast_convert_type3A_110 = tpu.bitcast %add3A_109 : vector<1024xi32> -> vector<1024xf32>
    %max3A_111 = arith.constant 0.000000e+00 : f32
    %max3A_112 = vector.broadcast %max3A_111 : f32 to vector<1024xf32>
    %max3A_113 = arith.maximumf %bitcast_convert_type3A_110, %max3A_112 : vector<1024xf32>
    %sqrt3A_114 = math.sqrt %max3A_113 : vector<1024xf32>
    %eq3A_115 = arith.cmpf oeq, %sqrt3A_114, %sqrt3A_26 : vector<1024xf32>
    %max3A_116 = arith.maximumf %select_n3A_106, %bitcast_convert_type3A_110 : vector<1024xf32>
    %select_n3A_117 = arith.select %eq3A_115, %max3A_116, %select_n3A_106 : vector<1024xi1>, vector<1024xf32>
    %add3A_118 = arith.constant 2 : i32
    %add3A_119 = vector.broadcast %add3A_118 : i32 to vector<1024xi32>
    %add3A_120 = arith.addi %bitcast_convert_type3A_83, %add3A_119 : vector<1024xi32>
    %bitcast_convert_type3A_121 = tpu.bitcast %add3A_120 : vector<1024xi32> -> vector<1024xf32>
    %max3A_122 = arith.constant 0.000000e+00 : f32
    %max3A_123 = vector.broadcast %max3A_122 : f32 to vector<1024xf32>
    %max3A_124 = arith.maximumf %bitcast_convert_type3A_121, %max3A_123 : vector<1024xf32>
    %sqrt3A_125 = math.sqrt %max3A_124 : vector<1024xf32>
    %eq3A_126 = arith.cmpf oeq, %sqrt3A_125, %sqrt3A_26 : vector<1024xf32>
    %max3A_127 = arith.maximumf %select_n3A_117, %bitcast_convert_type3A_121 : vector<1024xf32>
    %select_n3A_128 = arith.select %eq3A_126, %max3A_127, %select_n3A_117 : vector<1024xi1>, vector<1024xf32>
    %add3A_129 = arith.constant 3 : i32
    %add3A_130 = vector.broadcast %add3A_129 : i32 to vector<1024xi32>
    %add3A_131 = arith.addi %bitcast_convert_type3A_83, %add3A_130 : vector<1024xi32>
    %bitcast_convert_type3A_132 = tpu.bitcast %add3A_131 : vector<1024xi32> -> vector<1024xf32>
    %max3A_133 = arith.constant 0.000000e+00 : f32
    %max3A_134 = vector.broadcast %max3A_133 : f32 to vector<1024xf32>
    %max3A_135 = arith.maximumf %bitcast_convert_type3A_132, %max3A_134 : vector<1024xf32>
    %sqrt3A_136 = math.sqrt %max3A_135 : vector<1024xf32>
    %eq3A_137 = arith.cmpf oeq, %sqrt3A_136, %sqrt3A_26 : vector<1024xf32>
    %max3A_138 = arith.maximumf %select_n3A_128, %bitcast_convert_type3A_132 : vector<1024xf32>
    %select_n3A_139 = arith.select %eq3A_137, %max3A_138, %select_n3A_128 : vector<1024xi1>, vector<1024xf32>
    %iota3A = tpu.iota {dimensions = array<i32: 1>} : vector<1024x4096xi32>
    %slice3A_140 = vector.extract_strided_slice %sub3A {offsets = [0, 0], sizes = [1024, 4096], strides = [1, 1]} : vector<1024x8192xf32> to vector<1024x4096xf32>
    %broadcast_in_dim3A_141 = vector.shape_cast %select_n3A_81 : vector<1024xf32> to vector<1024x1xf32>
    %le3A = vector.broadcast %broadcast_in_dim3A_141 : vector<1024x1xf32> to vector<1024x4096xf32>
    %le3A_142 = arith.cmpf ole, %slice3A_140, %le3A : vector<1024x4096xf32>
    %jit3A = arith.constant 4096 : i32
    %broadcast_in_dim3A_143 = vector.broadcast %jit3A : i32 to vector<1024x4096xi32>
    %select_n3A_144 = arith.select %le3A_142, %iota3A, %broadcast_in_dim3A_143 : vector<1024x4096xi1>, vector<1024x4096xi32>
    %reduce_min3A_145 = arith.constant dense<2147483647> : vector<1024xi32>
    %reduce_min3A_146 = vector.multi_reduction <minsi>, %select_n3A_144, %reduce_min3A_145 [1] : vector<1024x4096xi32> to vector<1024xi32>
    %slice3A_147 = vector.extract_strided_slice %sub3A {offsets = [0, 4096], sizes = [1024, 4096], strides = [1, 1]} : vector<1024x8192xf32> to vector<1024x4096xf32>
    %broadcast_in_dim3A_148 = vector.shape_cast %select_n3A_139 : vector<1024xf32> to vector<1024x1xf32>
    %le3A_149 = vector.broadcast %broadcast_in_dim3A_148 : vector<1024x1xf32> to vector<1024x4096xf32>
    %le3A_150 = arith.cmpf ole, %slice3A_147, %le3A_149 : vector<1024x4096xf32>
    %jit3A_151 = arith.constant 4096 : i32
    %broadcast_in_dim3A_152 = vector.broadcast %jit3A_151 : i32 to vector<1024x4096xi32>
    %select_n3A_153 = arith.select %le3A_150, %iota3A, %broadcast_in_dim3A_152 : vector<1024x4096xi1>, vector<1024x4096xi32>
    %reduce_min3A_154 = arith.constant dense<2147483647> : vector<1024xi32>
    %reduce_min3A_155 = vector.multi_reduction <minsi>, %select_n3A_153, %reduce_min3A_154 [1] : vector<1024x4096xi32> to vector<1024xi32>
    %convert_element_type3A_156 = arith.truncf %sqrt3A : vector<1024xf32> to vector<1024xbf16>
    %convert_element_type3A_157 = arith.extf %convert_element_type3A_156 : vector<1024xbf16> to vector<1024xf32>
    %lt3A = arith.cmpf olt, %sqrt3A_26, %convert_element_type3A_157 : vector<1024xf32>
    %add3A_158 = arith.constant 4096 : i32
    %add3A_159 = vector.broadcast %add3A_158 : i32 to vector<1024xi32>
    %add3A_160 = arith.addi %reduce_min3A_155, %add3A_159 : vector<1024xi32>
    %select_n3A_161 = arith.select %lt3A, %add3A_160, %reduce_min3A_146 : vector<1024xi1>, vector<1024xi32>
    %select_n3A_162 = arith.select %lt3A, %sqrt3A_26, %sqrt3A : vector<1024xi1>, vector<1024xf32>
    %reshape3A = vector.shape_cast %select_n3A_161 : vector<1024xi32> to vector<1x1x1024xi32>
    %swap3A = arith.constant 0 : index
    %swap3A_163 = arith.constant 0 : index
    %swap3A_164 = arith.constant 0 : index
    %swap3A_165 = vector.load %arg3[%swap3A, %swap3A_163, %swap3A_164] : memref<1x1x1024xi32, #tpu.memory_space<vmem>>, vector<1x1x1024xi32>
    tpu.vector_store %arg3[%swap3A, %swap3A_163, %swap3A_164], %reshape3A {strides = array<i32>} : memref<1x1x1024xi32, #tpu.memory_space<vmem>>, vector<1x1x1024xi32>,
    %mul3A_166 = arith.mulf %select_n3A_162, %select_n3A_162 : vector<1024xf32>
    %reshape3A_167 = vector.shape_cast %mul3A_166 : vector<1024xf32> to vector<1x1x1024xf32>
    %swap3A_168 = arith.constant 0 : index
    %swap3A_169 = arith.constant 0 : index
    %swap3A_170 = arith.constant 0 : index
    %swap3A_171 = vector.load %arg4[%swap3A_168, %swap3A_169, %swap3A_170] : memref<1x1x1024xf32, #tpu.memory_space<vmem>>, vector<1x1x1024xf32>
    tpu.vector_store %arg4[%swap3A_168, %swap3A_169, %swap3A_170], %reshape3A_167 {strides = array<i32>} : memref<1x1x1024xf32, #tpu.memory_space<vmem>>, vector<1x1x1024xf32>,
    return
  }
  func.func @transform_0(%arg0: i32) -> (i32, i32) {
    %c0_i32 = arith.constant 0 : i32
    %c0_i32_0 = arith.constant 0 : i32
    return %arg0, %c0_i32 : i32, i32
  }
  func.func @transform_1(%arg0: i32) -> (i32, i32) {
    %c0_i32 = arith.constant 0 : i32
    %c0_i32_0 = arith.constant 0 : i32
    %c0_i32_1 = arith.constant 0 : i32
    return %c0_i32, %c0_i32_0 : i32, i32
  }
  func.func @transform_2(%arg0: i32) -> (i32, i32, i32) {
    %c0_i32 = arith.constant 0 : i32
    %c0_i32_0 = arith.constant 0 : i32
    %c0_i32_1 = arith.constant 0 : i32
    return %arg0, %c0_i32, %c0_i32_0 : i32, i32, i32
  }
  func.func @transform_3(%arg0: i32) -> (i32, i32, i32) {
    %c0_i32 = arith.constant 0 : i32
    %c0_i32_0 = arith.constant 0 : i32
    %c0_i32_1 = arith.constant 0 : i32
    return %arg0, %c0_i32, %c0_i32_0 : i32, i32, i32
  }
}

</mosaic_0001>

<sc_bundles>
// kernel: kernel.4.cloned.1.call-start
scs
__scs_entry_jumppad:
0x0: {  	(pc) =	sbr.rel $0x88, $3  }
0x1: {  	(tag) =	ssettag $0x0;
	lr =	simm.s32 $0x1  }
0x2: {  	[smem:$0x3F9F] =	sst lr;
	_ =	strace $0xD0000000  }
0x3: {  	_ = 	snop  }
0x4: {  	_ = 	snop  }
0x5: {  	_ = 	snop  }
0x6: {  	_ = 	snop  }
0x7: {  	_ = 	snop  }
__scs_overlays_trampoline_lowered:
0x8: {  	[smem:$0x3FAE] =	sst s0  }
0x9: {  	[smem:$0x3FAF] =	sst s1  }
0xa: {  	[smem:$0x3FB0] =	sst s2  }
0xb: {  	[smem:$0x3FB1] =	sst s3  }
0xc: {  	[smem:$0x3FB2] =	sst s4  }
0xd: {  	[smem:$0x3FB3] =	sst s5  }
0xe: {  	[smem:$0x3FB4] =	sst s6  }
0xf: {  	[smem:$0x3FB5] =	sst s7  }
0x10: {  	[smem:$0x3FB6] =	sst s8  }
0x11: {  	[smem:$0x3FB7] =	sst s9;
	s0 =	simm.s32 @!p0 $0x0  }
0x12: {  	s1 =	sld [smem:$0x3F9D];
	s0 =	simm.s32 @p0 $0x1  }
0x13: {  	[smem:$0x3FB8] =	sst s0;
	s0 =	simm.s32 @!p1 $0x0  }
0x14: {  	s2 =	sld [smem:$0x3F9C];
	s0 =	simm.s32 @p1 $0x1  }
0x15: {  	[smem:$0x3FB9] =	sst s0;
	s0 =	simm.s32 @!p2 $0x0  }
0x16: {  	s3 =	sld [smem:$0x3FDB];
	s0 =	simm.s32 @p2 $0x1  }
0x17: {  	s4 =	simm.s32 $0x1BF5;
	[smem:$0x3FBB] =	sst s0  }
0x18: {  	s0 =	sld [smem:$0x3F9E];
	_ =	swait.ge [sflag:s4], $0x0  }
0x19: {  	s7 =	sld [smem:$0x3F9F]  }
0x1a: {  	s8 =	sadd.s32 $0xFFFFE003, lr  }
0x1b: {  	s9 =	sadd.s32 $0xFFFFFEF7, lr;
	s5 =	simm.s32 $0xFFFFFFFF;
	p2 =	slt.u32 s8, $0xFFFFF086  }
0x1c: {  	p1 =	slt.u32 s9, $0xF7A;
	s5 =	simm.s32 @!p2 $0x0  }
0x1d: {  	s5 =	simm.s32 @p1 $0x1;
	p0 =	seq.s32 s7, s2  }
0x1e: {  	s7 =	smul.u32 @!p0 $0xF7A, s2;
	p2 =	seq.s32 @!p0 s5, $0x0  }
0x1f: {  	s9 =	smul.u32 $0xF7A, s1;
	s8 =	simm.s32 @!p0 $0x1BF5;
	p2 =	por !p2, p0  }
0x20: {  	[sflag:s8] =	ssyncset.s32 @!p0 $0xFFFFF086;
	s6 =	sadd.s32 @!p0 s3, s7;
	s7 =	simm.s32 @!p0 $0x108  }
0x21: {  	s3 =	sadd.s32 s3, s9;
	s6 =	sadd.s32 @!p0 $0x88, s6;
	s7 =	simm.s32 @p2 $0x1082  }
0x22: {  	[simem:s7], [sflag:s8] =	dma.local @!p0 [hbm:s6], $0xF7A  }
0x23: {  	s9 =	sor.u32 $0xD0000000, s2;
	s6 =	simm.s32 $0x108;
	_ =	swait.ge @!p0 [sflag:s8], $0x0  }
0x24: {  	s3 =	sadd.s32 $0x88, s3;
	s6 =	simm.s32 @!p1 $0x1082;
	[sflag:s4] =	ssyncset.s32 $0xFFFFF086  }
0x25: {  	[simem:s6], [sflag:s4] =	dma.local [hbm:s3], $0xF7A  }
0x26: {  	[smem:$0x3F9F] =	sst s1;
	(tag) =	ssettag s2;
	_ =	strace s9  }
0x27: {  	s1 =	sld [smem:$0x3FAF]  }
0x28: {  	s2 =	sld [smem:$0x3FB0]  }
0x29: {  	s4 =	sld [smem:$0x3FB2]  }
0x2a: {  	p0 =	seq.s32 s5, $0x0;
	s5 =	sld [smem:$0x3FB3]  }
0x2b: {  	s6 =	sld [smem:$0x3FB4]  }
0x2c: {  	s7 =	sld [smem:$0x3FB5]  }
0x2d: {  	s3 =	simm.s32 $0x108;
	s8 =	sld [smem:$0x3FB6]  }
0x2e: {  	s3 =	simm.s32 @!p0 $0x1082;
	s9 =	sld [smem:$0x3FB7]  }
0x2f: {  	lr =	sadd.s32 s0, s3;
	s0 =	sld [smem:$0x3FAE]  }
0x30: {  	s3 =	sld [smem:$0x3FB1]  }
0x31: {  	[smem:$0x3FBA] =	sst s10  }
0x32: {  	s10 =	sld [smem:$0x3FB8];
	_ =	sdelay $0x3  }
0x33: {  	p0 =	seq.s32 s10, $0x1;
	s10 =	sld [smem:$0x3FBA];
	_ =	sdelay $0x3  }
0x34: {  	[smem:$0x3FBA] =	sst s10  }
0x35: {  	s10 =	sld [smem:$0x3FB9];
	_ =	sdelay $0x3  }
0x36: {  	p1 =	seq.s32 s10, $0x1;
	s10 =	sld [smem:$0x3FBA];
	_ =	sdelay $0x3  }
0x37: {  	[smem:$0x3FBA] =	sst s10  }
0x38: {  	s10 =	sld [smem:$0x3FBB]  }
0x39: {  	_ = 	snop;
	(pc) =	sbr.ind lr, $3  }
0x3a: {  	_ = 	snop  }
0x3b: {  	_ = 	snop  }
0x3c: {  	p2 =	seq.s32 s10, $0x1;
	s10 =	sld [smem:$0x3FBA]  }
0x3d: {  	_ =	shalt  }
0x3e: {  	_ =	shalt  }
0x3f: {  	_ =	shalt  }
0x40: {  	_ =	shalt  }
0x41: {  	_ =	shalt  }
0x42: {  	_ =	shalt  }
0x43: {  	_ =	shalt  }
0x44: {  	_ =	shalt  }
0x45: {  	_ =	shalt  }
0x46: {  	_ =	shalt  }
0x47: {  	_ =	shalt  }
0x48: {  	_ =	shalt  }
0x49: {  	_ =	shalt  }
0x4a: {  	_ =	shalt  }
0x4b: {  	_ =	shalt  }
0x4c: {  	_ =	shalt  }
0x4d: {  	_ =	shalt  }
0x4e: {  	_ =	shalt  }
0x4f: {  	_ =	shalt  }
0x50: {  	_ =	shalt  }
0x51: {  	_ =	shalt  }
0x52: {  	_ =	shalt  }
0x53: {  	_ =	shalt  }
0x54: {  	_ =	shalt  }
0x55: {  	_ =	shalt  }
0x56: {  	_ =	shalt  }
0x57: {  	_ =	shalt  }
0x58: {  	_ =	shalt  }
0x59: {  	_ =	shalt  }
0x5a: {  	_ =	shalt  }
0x5b: {  	_ =	shalt  }
0x5c: {  	_ =	shalt  }
0x5d: {  	_ =	shalt  }
0x5e: {  	_ =	shalt  }
0x5f: {  	_ =	shalt  }
0x60: {  	_ =	shalt  }
0x61: {  	_ =	shalt  }
0x62: {  	_ =	shalt  }
0x63: {  	_ =	shalt  }
0x64: {  	_ =	shalt  }
0x65: {  	_ =	shalt  }
0x66: {  	_ =	shalt  }
0x67: {  	_ =	shalt  }
0x68: {  	_ =	shalt  }
0x69: {  	_ =	shalt  }
0x6a: {  	_ =	shalt  }
0x6b: {  	_ =	shalt  }
0x6c: {  	_ =	shalt  }
0x6d: {  	_ =	shalt  }
0x6e: {  	_ =	shalt  }
0x6f: {  	_ =	shalt  }
0x70: {  	_ =	shalt  }
0x71: {  	_ =	shalt  }
0x72: {  	_ =	shalt  }
0x73: {  	_ =	shalt  }
0x74: {  	_ =	shalt  }
0x75: {  	_ =	shalt  }
0x76: {  	_ =	shalt  }
0x77: {  	_ =	shalt  }
0x78: {  	_ =	shalt  }
0x79: {  	_ =	shalt  }
0x7a: {  	_ =	shalt  }
0x7b: {  	_ =	shalt  }
0x7c: {  	_ =	shalt  }
0x7d: {  	_ =	shalt  }
0x7e: {  	_ =	shalt  }
0x7f: {  	_ =	shalt  }
0x80: {  	_ =	shalt  }
0x81: {  	_ =	shalt  }
0x82: {  	_ =	shalt  }
0x83: {  	_ =	shalt  }
0x84: {  	_ =	shalt  }
0x85: {  	_ =	shalt  }
0x86: {  	_ =	shalt  }
0x87: {  	_ =	shalt  }
.Lfunc_end0:
.L_simem_size_0:
called_computation_lowered:
.L_overlay_start_0:
0x88: {  	s2 =	sld [smem:$0x3FD9]  }
0x89: {  	s3 =	sld [smem:$0x3FFE];
	_ =	sdelay $0x1  }
0x8a: {  	s1 =	srdreg.scid  }
0x8b: {  	s0 =	sand.u32 $0x1, s1  }
0x8c: {  	s14 =	sshll.u32 s0, $0xA;
	s2 =	sadd.s32 s3, s2  }
0x8d: {  	s2 =	sadd.s32 s2, s14  }
0x8e: {  	[smem:$0x3FC6] =	sst s2  }
0x8f: {  	_ = 	snop  }
0x90: {  	s2 =	sld [smem:$0x3FD0];
	_ =	sdelay $0x2  }
0x91: {  	s15 =	simm.s32 $0xA;
	s4 =	simm.s32 $0x10  }
0x92: {  	[smem:s4], [sflag:s15] =	dma.local [hbm:s2], $0x1  }
0x93: {  	_ =	swait.eq [sflag:s15], $0x1  }
0x94: {  	[sflag:s15] =	ssyncset.done $0x0  }
0x95: {  	s16 =	sld [smem:$0x10];
	[sflag:s15] =	ssyncadd.s32 $0xFFFFFFFF  }
0x96: {  	s17 =	sld [smem:$0x12];
	(tm) =	ssettm $0x1  }
0x97: {  	s18 =	sld [smem:$0x3FFB];
	_ =	sdelay $0x3  }
0x98: {  	_ =	strace s18  }
0x99: {  	s4 =	sld [smem:$0x3FFC];
	_ =	sdelay $0x3  }
0x9a: {  	_ =	strace s4  }
0x9b: {  	s4 =	sld [smem:$0x3FFD];
	_ =	sdelay $0x3  }
0x9c: {  	_ =	strace s4  }
0x9d: {  	_ =	strace $0x8FFFFFFF  }
0x9e: {  	s19 =	sld [smem:$0x3FDB];
	_ =	sdelay $0x1  }
0x9f: {  	s5 =	simm.s32 $_scs_section_size  }
0xa0: {  	s6 =	simm.s32 $_size__tile_overlayer_lowered;
	s7 =	simm.s32 $_tile_overlayer_lowered  }
0xa1: {  	s22 =	simm.s32 $0x1BFF;
	s21 =	sshll.u32 s7, $0x1;
	s4 =	sadd.s32 s5, s19  }
0xa2: {  	s8 =	simm.s32 $0x0;
	s20 =	sshll.u32 s6, $0x1;
	s6 =	sadd.s32 s21, s4  }
0xa3: {  	[timem:s8], [sflag:s22] =	dma.local [hbm:s6], s20  }
0xa4: {  	_ =	swait.ge [sflag:s22], s20  }
0xa5: {  	s5 =	ssub.s32 $0x0, s20;
	[sflag:s22] =	ssyncset.done $0x0  }
0xa6: {  	[sflag:s22] =	ssyncadd.s32 s5;
	_ =	sdelay $0x1  }
0xa7: {  	s23 =	simm.s32 $0x1B8B  }
0xa8: {  	_ =	swait.ge [sflag:s23], $0x1  }
0xa9: {  	[sflag:s23] =	ssyncset.done $0x0  }
0xaa: {  	s25 =	simm.s32 $0x1B8E;
	s24 =	sld [smem:$0x3FFE];
	[sflag:s23] =	ssyncadd.s32 $0xFFFFFFFF  }
0xab: {  	s26 =	simm.s32 $execute0_lowered;
	[smem:$0x3FD2] =	sst s25  }
0xac: {  	s6 =	sshll.u32 s26, $0x1;
	_ =	strace $0x80000046;
	[dreg:$0x1] =	wrdreg $0xFFFFFFFF  }
0xad: {  	s28 =	simm.s32 $_size_execute0_lowered;
	s4 =	sadd.s32 s4, s6;
	[dreg:$0x0] =	wrdreg $0x0  }
0xae: {  	s6 =	sshll.u32 s28, $0x1;
	[dreg:$0x2] =	wrdreg s4  }
0xaf: {  	[dreg:$0x3] =	wrdreg s6  }
0xb0: {  	[dreg:$0x4] =	wrdreg $0xC0  }
0xb1: {  	_ =	task [dreg:s8], $0x5FFFF  }
0xb2: {  	[dreg:$0x1] =	wrdreg $0xFFFFFFFF  }
0xb3: {  	[dreg:$0x0] =	wrdreg $0x60  }
0xb4: {  	[dreg:$0x2] =	wrdreg s24  }
0xb5: {  	[dreg:$0x3] =	wrdreg s17  }
0xb6: {  	[dreg:$0x4] =	wrdreg s16  }
0xb7: {  	[dreg:$0x5] =	wrdreg $0x9  }
0xb8: {  	_ =	task.clear_ibuf [dreg:s8], $0x6FFFF;
	_ =	strace $0x90000046  }
0xb9: {  	s29 =	simm.s32 $0x9;
	_ =	strace $0x80000048  }
0xba: {  	_ =	swait.ge [sflag:s29], $0x1  }
0xbb: {  	[sflag:s29] =	ssyncadd.s32 $0xFFFFFFFF  }
0xbc: {  	_ =	strace $0x90000048  }
0xbd: {  	_ =	sfence  }
0xbe: {  	s30 =	sld [smem:$0x0];
	_ =	sdelay $0x2  }
0xbf: {  	s31 =	sshll.u32 s1, $0xD;
	s1 =	sshrl.u32 s1, $0x2  }
0xc0: {  	s3 =	sand.u32 $0x4000, s31;
	s1 =	sadd.s32 s1, s30  }
0xc1: {  	s0 =	sor.u32 s3, s0;
	s1 =	sshll.u32 s1, $0x11  }
0xc2: {  	s0 =	sor.u32 s1, s0  }
0xc3: {  	s0 =	sadd.s32 $0x8F2B, s0  }
0xc4: {  	[sflag:s0] =	ssyncadd.remote.s32 $0x1  }
0xc5: {  	_ =	sfence.sel $0xFFFF  }
0xc6: {  	[dreg:$0x0] =	wrdreg $0xFFFFFFFF;
	(pc) =	sbr.abs _section_cstart, $3  }
0xc7: {  	[dreg:$0x1] =	wrdreg $0xFFFFFFFF  }
0xc8: {  	_ =	task.clear_ibuf [dreg:s8], $0x2FFFF;
	_ =	strace $0x9FFFFFFF  }
0xc9: {  	(tm) =	ssettm $0x7FFFFFFF  }
tec
execute0_lowered:
.L_overlay_start_1:
0x0: {  	(tag) =	ssettag $0x1  }
0x1: {  	s5 =	rddreg [dreg:$0x0]  }
0x2: {  	s1 =	srdreg.scid;
	s3 =	rddreg [dreg:$0x1]  }
0x3: {  	s0 =	stileid.u32;
	s8 =	rddreg [dreg:$0x2];
	s6 =	sand.u32 $0x1, s1  }
0x4: {  	s2 =	simm.s32 $0x0;
	s4 =	sshll.u32 s0, $0xA;
	s7 =	sshll.u32 s6, $0x9  }
0x5: {  	[smem:$0x7FF] =	sst s2;
	s9 =	sor.u32 s7, s4  }
0x6: {  	s1 =	rddreg [dreg:$0x3];
	_ =	strace $0x80000047;
	s4 =	sshrl.u32 s9, $0x3  }
0x7: {  	s10 =	ssub.s32 $0x2, s6;
	s4 =	sadd.s32 s3, s4;
	s3 =	simm.s32 $0x2  }
0x8: {  	[tilespmem:s2], [sflag:$0x2] =	stream.linear.gather [hbm4b:s4+s2], $0x200, $0x38;
	[tilespmem:$0x4200] =	vst v63  }
0x9: {  	s5 =	sadd.s32 $0x400, s5;
	s11 =	sshrl.u32 s10, $0x1;
	_ =	swait.ge [sflag:s3], $0x200  }
0xa: {  	s6 =	simm.s32 $0x200;
	s10 =	ssub.s32 s10, s11;
	[sflag:s3] =	ssyncset.done $0x0  }
0xb: {  	s7 =	simm.s32 $0x1;
	s31 =	smax.u32 s10, $0x1;
	[sflag:s3] =	ssyncadd.s32 $0xFFFFFE00  }
0xc: {  	[tilespmem:s6], [sflag:$0x1] =	stream.indirect.gather [hbm4b:s5+s6], $0x20, s2, s6, $0xb8;
	[tilespmem:$0x4200] =	vst v63  }
0xd: {  	p0 =	sne.s32 s31, $0x1;
	_ =	swait.ge [sflag:s7], $0x4000  }
.Ltmp0:
0xe: {  	s9 =	sshll.u32 s9, $0x2;
	[sflag:s7] =	ssyncset.done $0x0;
	(pc) =	sbr.rel @!p0 .LBB2_2-.Ltmp0, $4  }
0xf: {  	s8 =	sadd.s32 s8, s9;
	[sflag:s7] =	ssyncadd.s32 $0xFFFFC000  }
0x10: {  	[hbm4b:s8+s2] =	stream.linear.scatter [tilespmem:s6], [sflag:$0x2], $0x4000, $0x38;
	[tilespmem:$0x4200] =	vst v63  }
0x11: {  	_ =	swait.ge [sflag:s3], $0x4000  }
0x12: {  	s9 =	sadd.s32 $0xFFFFFFFF, s31;
	[sflag:s3] =	ssyncset.done $0x0  }
.LBB2_1:
0x13: {  	p0 =	sne.s32 s9, $0x1;
	s9 =	sadd.s32 $0xFFFFFFFF, s9;
	[sflag:s3] =	ssyncadd.s32 $0xFFFFC000  }
0x14: {  	[tilespmem:s2], [sflag:$0x2] =	stream.linear.gather [hbm4b:s4+s2], $0x200, $0x38;
	[tilespmem:$0x4200] =	vst v63  }
0x15: {  	_ =	swait.ge [sflag:s3], $0x200  }
0x16: {  	[sflag:s3] =	ssyncset.done $0x0  }
0x17: {  	[sflag:s3] =	ssyncadd.s32 $0xFFFFFE00  }
0x18: {  	[tilespmem:s6], [sflag:$0x1] =	stream.indirect.gather [hbm4b:s5+s6], $0x20, s2, s6, $0xb8;
	[tilespmem:$0x4200] =	vst v63  }
0x19: {  	_ =	swait.ge [sflag:s7], $0x4000  }
.Ltmp1:
0x1a: {  	[sflag:s7] =	ssyncset.done $0x0;
	(pc) =	sbr.rel @p0 .LBB2_1-.Ltmp1, $4  }
0x1b: {  	[sflag:s7] =	ssyncadd.s32 $0xFFFFC000  }
0x1c: {  	[hbm4b:s8+s2] =	stream.linear.scatter [tilespmem:s6], [sflag:$0x2], $0x4000, $0x38;
	[tilespmem:$0x4200] =	vst v63  }
0x1d: {  	_ =	swait.ge [sflag:s3], $0x4000  }
0x1e: {  	[sflag:s3] =	ssyncset.done $0x0  }
.LBB2_2:
0x1f: {  	[sflag:s3] =	ssyncadd.s32 $0xFFFFC000  }
0x20: {  	_ =	sfence.sel $0x180000  }
0x21: {  	[bflag:$0x0] =	sbarrier.arrive $0xFFFF  }
0x22: {  	p0 =	sne.s32 s0, $0x0;
	_ =	strace $0x90000047  }
0x23: {  	s0 =	sadd.s32 @!p0 $0x100000, s1;
	[bflag:$0x2] =	sbarrier.arrive $0xFFFF  }
0x24: {  	[sflag:s0] =	ssyncadd.tile.s32 @!p0 $0x1;
	_ =	shalt  }
.Lfunc_end2:
_tile_overlayer_lowered:
.L_overlay_start_2:
0x25: {  	(tag) =	ssettag $0x2  }
0x26: {  	s0 =	rddreg [dreg:$0x0];
	s2 =	stileid.u32  }
0x27: {  	s1 =	rddreg [dreg:$0x1];
	p0 =	sne.s32 s2, $0x0  }
0x28: {  	s3 =	rddreg [dreg:$0x2];
	[bflag:$0x3] =	sbarrier.arrive $0xFFFF;
	s2 =	simm.s32 @!p0 $0x1C02  }
0x29: {  	[timem:s3], [sflag:s2] =	dma.local @!p0 [hbm:s0], s1  }
0x2a: {  	s0 =	simm.s32 @!p0 $0x2  }
0x2b: {  	_ =	swait.ge @!p0 [sflag:s0], s1  }
0x2c: {  	s1 =	ssub.s32 @!p0 $0x0, s1;
	[sflag:s0] =	ssyncset.done @!p0 $0x0  }
0x2d: {  	[sflag:s0] =	ssyncadd.s32 @!p0 s1  }
0x2e: {  	[bflag:$0x3] =	sbarrier.arrive $0xFFFF  }
0x2f: {  	_ =	shalt  }

</sc_bundles>
